<compile_context>
chip_gen: v7x
topology: tpu7x:2x2x1
jax: 0.10.2.dev20260603
libtpu: 0.0.44.dev20260713+nightly
codegen_flags: <defaults>
</compile_context>

<pallas_src>
import functools

import jax
import jax.numpy as jnp
from jax import lax
from jax.experimental import pallas as pl
from jax.experimental.pallas import tpu as pltpu
from jax.experimental.pallas import tpu_sc as plsc

_N = 16384
_NM = 31
_LANES = 16
_NW = 32
_R = _N // _NW

_mesh = plsc.VectorSubcoreMesh(core_axis_name="c", subcore_axis_name="s")
_params = pltpu.CompilerParams(needs_layout_passes=False)


def _sc_body(f_hbm, m_hbm, nm_hbm, fdlm_hbm, part_hbm,
             idx_v, vals_v, floc, m_v, nm_v, acc_v,
             sem_m, sem_nm, sem_a):
    wid = lax.axis_index("s") * 2 + lax.axis_index("c")
    base = wid * _R
    cp_m = pltpu.async_copy(m_hbm, m_v.at[pl.ds(0, _NM)], sem_m)
    cp_nm = pltpu.async_copy(nm_hbm, nm_v.at[pl.ds(0, 1)], sem_nm)
    iota = lax.iota(jnp.int32, _LANES)
    zeros_i = jnp.zeros((_LANES,), jnp.int32)
    cp_m.wait()
    cp_nm.wait()

    m0 = m_v[pl.ds(0, _LANES)]
    m1 = m_v[pl.ds(_LANES, _LANES)]
    x = plsc.load_gather(nm_v, [zeros_i]) * 3.0 + 2.0
    mlo = plsc.load_gather(m_v, [zeros_i])
    mhi = plsc.load_gather(m_v, [zeros_i + (_NM - 1)])
    x = jnp.clip(x, mlo, mhi)
    cnt = (plsc.all_reduce_population_count(m0 <= x)
           + plsc.all_reduce_population_count((m1 <= x) & (iota < _NM - _LANES)))
    j = jnp.clip(cnt - 1, 0, _NM - 2)
    mj = plsc.load_gather(m_v, [j])
    mj1 = plsc.load_gather(m_v, [j + 1])
    w = (x - mj) / (mj1 - mj)
    gbase = (base + iota) * _NM + j

    def idx_body(t, carry):
        g = gbase + t * (_LANES * _NM)
        idx_v[pl.ds(t * _LANES, _LANES)] = g
        idx_v[pl.ds(_R + t * _LANES, _LANES)] = g + 1
        return carry

    lax.fori_loop(0, _R // _LANES, idx_body, zeros_i, unroll=4)
    pltpu.async_copy(f_hbm.at[idx_v], vals_v, sem_a).wait()

    def blend_body(t, acc):
        a = vals_v[pl.ds(t * _LANES, _LANES)]
        b = vals_v[pl.ds(_R + t * _LANES, _LANES)]
        y = a + w * (b - a)
        floc[pl.ds(t * _LANES, _LANES)] = y
        return acc + y

    acc = lax.fori_loop(0, _R // _LANES, blend_body,
                        jnp.zeros((_LANES,), jnp.float32), unroll=4)
    acc_v[...] = acc
    pltpu.sync_copy(floc, fdlm_hbm.at[pl.ds(base, _R)])
    pltpu.sync_copy(acc_v, part_hbm.at[pl.ds(wid * _LANES, _LANES)])


_sc_call = functools.partial(
    pl.kernel,
    _sc_body,
    mesh=_mesh,
    compiler_params=_params,
    out_type=[jax.ShapeDtypeStruct((_N,), jnp.float32),
              jax.ShapeDtypeStruct((_NW * _LANES,), jnp.float32)],
    scratch_types=[pltpu.VMEM((2 * _R,), jnp.int32),
                   pltpu.VMEM((2 * _R,), jnp.float32),
                   pltpu.VMEM((_R,), jnp.float32),
                   pltpu.VMEM((2 * _LANES,), jnp.float32),
                   pltpu.VMEM((_LANES,), jnp.float32),
                   pltpu.VMEM((_LANES,), jnp.float32),
                   pltpu.SemaphoreType.DMA,
                   pltpu.SemaphoreType.DMA,
                   pltpu.SemaphoreType.DMA],
)


def _tc_body(part_ref, vx_ref, f_ref, o_ref):
    total = jnp.sum(part_ref[...])
    dv = vx_ref[0, 1] - vx_ref[0, 0]
    o_ref[...] = f_ref[...] * (1.0 / (total * dv))


def kernel(normed_m, m_ax, f_vx_m, vx):
    f_flat = jnp.reshape(f_vx_m, (_N * _NM,))
    nm1 = jnp.reshape(normed_m, (1,))
    fdlm, partials = _sc_call()(f_flat, m_ax, nm1)
    out = pl.pallas_call(
        _tc_body,
        out_shape=jax.ShapeDtypeStruct((128, 128), jnp.float32),
    )(jnp.reshape(partials, (4, 128)), jnp.reshape(vx, (128, 128)),
      jnp.reshape(fdlm, (128, 128)))
    return jnp.reshape(out, (_N,))

# --- scband reference (transcript-rebuilt; emitter-appended) ---
"""Pipeline reference for scband-dlm1-v-6674379178655 (READ-ONLY COPY).

The authoritative reference and input builder live on the scoring server;
editing this copy changes nothing except your own understanding.
"""

import jax, jax.numpy as jnp
import numpy as np


def setup_inputs() -> dict:
    nvx = 16384
    vmax = 6.0
    dv = 2 * vmax / nvx
    vx = jnp.linspace(-vmax + dv / 2, vmax - dv / 2, nvx).astype(jnp.float32)
    m_ax = jnp.linspace(2.0, 5.0, 31).astype(jnp.float32)
    # Stand-in for the tabulated DLM distribution table loaded from the .mat file
    # (super-Gaussian exp(-|v|^m) which is exactly what the DLM table contains).
    vx_ax = jnp.linspace(-10.0, 10.0, 200001).astype(jnp.float32)
    projected = jnp.exp(-jnp.abs(vx_ax)[:, None] ** m_ax[None, :])  # [200001, 31]
    # Mirror the __init__ interpolation onto the nvx grid: vmap over the m axis
    f_vx_m = jax.vmap(jnp.interp, in_axes=(None, None, 1), out_axes=1)(vx, vx_ax, projected)  # [nvx, 31]
    # normed_m = (m_val - m_shift) / m_scale = (2.6 - 2.0) / 3.0 = 0.2 (identity inv activation)
    normed_m = jnp.asarray(0.2, dtype=jnp.float32)
    return {"normed_m": normed_m, "m_ax": m_ax, "f_vx_m": f_vx_m, "vx": vx}


def reference(normed_m, m_ax, f_vx_m, vx):
    m_scale = 3.0
    m_shift = 2.0
    # activate=False -> act_fun is identity
    unnormed_m = normed_m * m_scale + m_shift
    # interpolate_f_in_m = vmap(jnp.interp, in_axes=(None, None, 0), out_axes=0)
    fdlm = jax.vmap(jnp.interp, in_axes=(None, None, 0), out_axes=0)(unnormed_m, m_ax, f_vx_m)  # [nvx]
    return fdlm / jnp.sum(fdlm) / (vx[1] - vx[0])

if __name__ == "__main__":
    import jax
    _d = setup_inputs()
    print(jax.jit(kernel)(*tuple(_d.values())))

</pallas_src>

<mosaic_0001>
#map = affine_map<(d0, d1) -> (0)>
module attributes {stable_mosaic.version = 14 : i64} {
  func.func @_sc_body(%arg0: i32, %arg1: i32, %arg2: memref<507904xf32, #tpu.memory_space<hbm>>, %arg3: memref<31xf32, #tpu.memory_space<hbm>>, %arg4: memref<1xf32, #tpu.memory_space<hbm>>, %arg5: memref<16384xf32, #tpu.memory_space<hbm>>, %arg6: memref<512xf32, #tpu.memory_space<hbm>>, %arg7: memref<1024xi32, #tpu.memory_space<vmem>>, %arg8: memref<1024xf32, #tpu.memory_space<vmem>>, %arg9: memref<512xf32, #tpu.memory_space<vmem>>, %arg10: memref<32xf32, #tpu.memory_space<vmem>>, %arg11: memref<16xf32, #tpu.memory_space<vmem>>, %arg12: memref<16xf32, #tpu.memory_space<vmem>>, %arg13: memref<!tpu.dma_semaphore, #tpu.memory_space<semaphore_mem>>, %arg14: memref<!tpu.dma_semaphore, #tpu.memory_space<semaphore_mem>>, %arg15: memref<!tpu.dma_semaphore, #tpu.memory_space<semaphore_mem>>) attributes {dimension_semantics = [#tpu.dimension_semantics<core_parallel>, #tpu.dimension_semantics<subcore_parallel>], iteration_bounds = array<i64: 2, 16>, scalar_prefetch = 0 : i64, scratch_operands = 9 : i64, tpu.core_type = #tpu.core_type<sc_vector_subcore>, window_params = [{transform_indices = #map}, {transform_indices = #map}, {transform_indices = #map}, {transform_indices = #map}, {transform_indices = #map}]} {
    %mul3A = arith.constant 2 : i32
    %mul3A_0 = arith.muli %arg1, %mul3A : i32
    %add3A = arith.addi %mul3A_0, %arg0 : i32
    %mul3A_1 = arith.constant 512 : i32
    %mul3A_2 = arith.muli %add3A, %mul3A_1 : i32
    %dma_start3A = arith.constant 0 : i32
    %dma_start3A_3 = tpu.memref_slice %arg10[%dma_start3A] : memref<32xf32, #tpu.memory_space<vmem>> -> memref<31xf32, #tpu.memory_space<vmem>>
    %dma_start3A_4 = arith.constant 0 : i32
    %dma_start3A_5 = tpu.memref_slice %arg10[%dma_start3A_4] : memref<32xf32, #tpu.memory_space<vmem>> -> memref<31xf32, #tpu.memory_space<vmem>>
    tpu.enqueue_dma source(%arg3 : memref<31xf32, #tpu.memory_space<hbm>>) target(%dma_start3A_5 : memref<31xf32, #tpu.memory_space<vmem>>) target_semaphore(%arg13 : memref<!tpu.dma_semaphore, #tpu.memory_space<semaphore_mem>>)
    %dma_start3A_6 = arith.constant 0 : i32
    %dma_start3A_7 = tpu.memref_slice %arg11[%dma_start3A_6] : memref<16xf32, #tpu.memory_space<vmem>> -> memref<1xf32, #tpu.memory_space<vmem>>
    %dma_start3A_8 = arith.constant 0 : i32
    %dma_start3A_9 = tpu.memref_slice %arg11[%dma_start3A_8] : memref<16xf32, #tpu.memory_space<vmem>> -> memref<1xf32, #tpu.memory_space<vmem>>
    tpu.enqueue_dma source(%arg4 : memref<1xf32, #tpu.memory_space<hbm>>) target(%dma_start3A_9 : memref<1xf32, #tpu.memory_space<vmem>>) target_semaphore(%arg14 : memref<!tpu.dma_semaphore, #tpu.memory_space<semaphore_mem>>)
    %iota3A = tpu.iota {dimensions = array<i32: 0>} : vector<16xi32>
    %broadcast_in_dim3A = arith.constant 0 : i32
    %broadcast_in_dim3A_10 = vector.broadcast %broadcast_in_dim3A : i32 to vector<16xi32>
    %dma_wait3A = arith.constant 0 : i32
    %dma_wait3A_11 = tpu.memref_slice %arg10[%dma_wait3A] : memref<32xf32, #tpu.memory_space<vmem>> -> memref<31xf32, #tpu.memory_space<vmem>>
    %dma_wait3A_12 = arith.constant 0 : i32
    %dma_wait3A_13 = tpu.memref_slice %arg10[%dma_wait3A_12] : memref<32xf32, #tpu.memory_space<vmem>> -> memref<31xf32, #tpu.memory_space<vmem>>
    tpu.wait_dma2 semaphore(%arg13 : memref<!tpu.dma_semaphore, #tpu.memory_space<semaphore_mem>>) src(%arg3 : memref<31xf32, #tpu.memory_space<hbm>>) dst(%dma_wait3A_13 : memref<31xf32, #tpu.memory_space<vmem>>)
    %dma_wait3A_14 = arith.constant 0 : i32
    %dma_wait3A_15 = tpu.memref_slice %arg11[%dma_wait3A_14] : memref<16xf32, #tpu.memory_space<vmem>> -> memref<1xf32, #tpu.memory_space<vmem>>
    %dma_wait3A_16 = arith.constant 0 : i32
    %dma_wait3A_17 = tpu.memref_slice %arg11[%dma_wait3A_16] : memref<16xf32, #tpu.memory_space<vmem>> -> memref<1xf32, #tpu.memory_space<vmem>>
    tpu.wait_dma2 semaphore(%arg14 : memref<!tpu.dma_semaphore, #tpu.memory_space<semaphore_mem>>) src(%arg4 : memref<1xf32, #tpu.memory_space<hbm>>) dst(%dma_wait3A_17 : memref<1xf32, #tpu.memory_space<vmem>>)
    %get3A = arith.constant 0 : index
    %get3A_18 = tpu.vector_load %arg10[%get3A] {strides = array<i32>} : memref<32xf32, #tpu.memory_space<vmem>>, vector<16xf32>,
    %get3A_19 = arith.constant 16 : index
    %get3A_20 = tpu.vector_load %arg10[%get3A_19] {strides = array<i32>} : memref<32xf32, #tpu.memory_space<vmem>>, vector<16xf32>,
    %gather3A = tpu.vector_load_idx %arg11[%broadcast_in_dim3A_10] : memref<16xf32, #tpu.memory_space<vmem>>[vector<16xi32>], vector<16xf32>,
    %mul3A_21 = arith.constant 3.000000e+00 : f32
    %mul3A_22 = vector.broadcast %mul3A_21 : f32 to vector<16xf32>
    %mul3A_23 = arith.mulf %gather3A, %mul3A_22 : vector<16xf32>
    %add3A_24 = arith.constant 2.000000e+00 : f32
    %add3A_25 = vector.broadcast %add3A_24 : f32 to vector<16xf32>
    %add3A_26 = arith.addf %mul3A_23, %add3A_25 : vector<16xf32>
    %gather3A_27 = tpu.vector_load_idx %arg10[%broadcast_in_dim3A_10] : memref<32xf32, #tpu.memory_space<vmem>>[vector<16xi32>], vector<16xf32>,
    %add3A_28 = arith.constant 30 : i32
    %add3A_29 = vector.broadcast %add3A_28 : i32 to vector<16xi32>
    %add3A_30 = arith.addi %broadcast_in_dim3A_10, %add3A_29 : vector<16xi32>
    %gather3A_31 = tpu.vector_load_idx %arg10[%add3A_30] : memref<32xf32, #tpu.memory_space<vmem>>[vector<16xi32>], vector<16xf32>,
    %max3A = arith.maximumf %gather3A_27, %add3A_26 : vector<16xf32>
    %min3A = arith.minimumf %gather3A_31, %max3A : vector<16xf32>
    %le3A = arith.cmpf ole, %get3A_18, %min3A : vector<16xf32>
    %all_reduce_population_count3A = tpu.all_reduce %le3A {dim = 0 : i64, kind = #tpu.reduction_kind<sum>} : vector<16xi1> -> vector<16xi32>
    %le3A_32 = arith.cmpf ole, %get3A_20, %min3A : vector<16xf32>
    %lt3A = arith.constant 15 : i32
    %lt3A_33 = vector.broadcast %lt3A : i32 to vector<16xi32>
    %lt3A_34 = arith.cmpi slt, %iota3A, %lt3A_33 : vector<16xi32>
    %and3A = arith.andi %le3A_32, %lt3A_34 : vector<16xi1>
    %all_reduce_population_count3A_35 = tpu.all_reduce %and3A {dim = 0 : i64, kind = #tpu.reduction_kind<sum>} : vector<16xi1> -> vector<16xi32>
    %add3A_36 = arith.addi %all_reduce_population_count3A, %all_reduce_population_count3A_35 : vector<16xi32>
    %sub3A = arith.constant 1 : i32
    %sub3A_37 = vector.broadcast %sub3A : i32 to vector<16xi32>
    %sub3A_38 = arith.subi %add3A_36, %sub3A_37 : vector<16xi32>
    %jit3A = arith.constant 0 : i32
    %jit3A_39 = arith.constant 29 : i32
    %max3A_40 = vector.broadcast %jit3A : i32 to vector<16xi32>
    %max3A_41 = arith.maxsi %max3A_40, %sub3A_38 : vector<16xi32>
    %min3A_42 = vector.broadcast %jit3A_39 : i32 to vector<16xi32>
    %min3A_43 = arith.minsi %min3A_42, %max3A_41 : vector<16xi32>
    %gather3A_44 = tpu.vector_load_idx %arg10[%min3A_43] : memref<32xf32, #tpu.memory_space<vmem>>[vector<16xi32>], vector<16xf32>,
    %add3A_45 = arith.constant 1 : i32
    %add3A_46 = vector.broadcast %add3A_45 : i32 to vector<16xi32>
    %add3A_47 = arith.addi %min3A_43, %add3A_46 : vector<16xi32>
    %gather3A_48 = tpu.vector_load_idx %arg10[%add3A_47] : memref<32xf32, #tpu.memory_space<vmem>>[vector<16xi32>], vector<16xf32>,
    %sub3A_49 = arith.subf %min3A, %gather3A_44 : vector<16xf32>
    %sub3A_50 = arith.subf %gather3A_48, %gather3A_44 : vector<16xf32>
    %div3A = arith.divf %sub3A_49, %sub3A_50 : vector<16xf32>
    %add3A_51 = vector.broadcast %mul3A_2 : i32 to vector<16xi32>
    %add3A_52 = arith.addi %add3A_51, %iota3A : vector<16xi32>
    %mul3A_53 = arith.constant 31 : i32
    %mul3A_54 = vector.broadcast %mul3A_53 : i32 to vector<16xi32>
    %mul3A_55 = arith.muli %add3A_52, %mul3A_54 : vector<16xi32>
    %add3A_56 = arith.addi %mul3A_55, %min3A_43 : vector<16xi32>
    %scan3A = arith.constant 0 : i32
    %scan3A_57 = arith.constant 32 : i32
    %scan3A_58 = arith.addi %scan3A, %scan3A_57 : i32
    %scan3A_59 = arith.constant 4 : i32
    scf.for %scan3A_76 = %scan3A to %scan3A_58 step %scan3A_59  : i32 {
      %mul3A_77 = arith.constant 496 : i32
      %mul3A_78 = arith.muli %scan3A_76, %mul3A_77 : i32
      %add3A_79 = vector.broadcast %mul3A_78 : i32 to vector<16xi32>
      %add3A_80 = arith.addi %add3A_56, %add3A_79 : vector<16xi32>
      %mul3A_81 = arith.constant 16 : i32
      %mul3A_82 = arith.muli %scan3A_76, %mul3A_81 : i32
      %swap3A_83 = arith.index_cast %mul3A_82 : i32 to index
      %swap3A_84 = tpu.vector_load %arg7[%swap3A_83] {strides = array<i32>} : memref<1024xi32, #tpu.memory_space<vmem>>, vector<16xi32>,
      tpu.vector_store %arg7[%swap3A_83], %add3A_80 {strides = array<i32>} : memref<1024xi32, #tpu.memory_space<vmem>>, vector<16xi32>,
      %add3A_85 = arith.constant 1 : i32
      %add3A_86 = vector.broadcast %add3A_85 : i32 to vector<16xi32>
      %add3A_87 = arith.addi %add3A_80, %add3A_86 : vector<16xi32>
      %mul3A_88 = arith.constant 16 : i32
      %mul3A_89 = arith.muli %scan3A_76, %mul3A_88 : i32
      %add3A_90 = arith.constant 512 : i32
      %add3A_91 = arith.addi %add3A_90, %mul3A_89 : i32
      %swap3A_92 = arith.index_cast %add3A_91 : i32 to index
      %swap3A_93 = tpu.vector_load %arg7[%swap3A_92] {strides = array<i32>} : memref<1024xi32, #tpu.memory_space<vmem>>, vector<16xi32>,
      tpu.vector_store %arg7[%swap3A_92], %add3A_87 {strides = array<i32>} : memref<1024xi32, #tpu.memory_space<vmem>>, vector<16xi32>,
      %scan3A_94 = arith.constant 1 : i32
      %scan3A_95 = arith.addi %scan3A_76, %scan3A_94 : i32
      %mul3A_96 = arith.constant 496 : i32
      %mul3A_97 = arith.muli %scan3A_95, %mul3A_96 : i32
      %add3A_98 = vector.broadcast %mul3A_97 : i32 to vector<16xi32>
      %add3A_99 = arith.addi %add3A_56, %add3A_98 : vector<16xi32>
      %mul3A_100 = arith.constant 16 : i32
      %mul3A_101 = arith.muli %scan3A_95, %mul3A_100 : i32
      %swap3A_102 = arith.index_cast %mul3A_101 : i32 to index
      %swap3A_103 = tpu.vector_load %arg7[%swap3A_102] {strides = array<i32>} : memref<1024xi32, #tpu.memory_space<vmem>>, vector<16xi32>,
      tpu.vector_store %arg7[%swap3A_102], %add3A_99 {strides = array<i32>} : memref<1024xi32, #tpu.memory_space<vmem>>, vector<16xi32>,
      %add3A_104 = arith.constant 1 : i32
      %add3A_105 = vector.broadcast %add3A_104 : i32 to vector<16xi32>
      %add3A_106 = arith.addi %add3A_99, %add3A_105 : vector<16xi32>
      %mul3A_107 = arith.constant 16 : i32
      %mul3A_108 = arith.muli %scan3A_95, %mul3A_107 : i32
      %add3A_109 = arith.constant 512 : i32
      %add3A_110 = arith.addi %add3A_109, %mul3A_108 : i32
      %swap3A_111 = arith.index_cast %add3A_110 : i32 to index
      %swap3A_112 = tpu.vector_load %arg7[%swap3A_111] {strides = array<i32>} : memref<1024xi32, #tpu.memory_space<vmem>>, vector<16xi32>,
      tpu.vector_store %arg7[%swap3A_111], %add3A_106 {strides = array<i32>} : memref<1024xi32, #tpu.memory_space<vmem>>, vector<16xi32>,
      %scan3A_113 = arith.constant 2 : i32
      %scan3A_114 = arith.addi %scan3A_76, %scan3A_113 : i32
      %mul3A_115 = arith.constant 496 : i32
      %mul3A_116 = arith.muli %scan3A_114, %mul3A_115 : i32
      %add3A_117 = vector.broadcast %mul3A_116 : i32 to vector<16xi32>
      %add3A_118 = arith.addi %add3A_56, %add3A_117 : vector<16xi32>
      %mul3A_119 = arith.constant 16 : i32
      %mul3A_120 = arith.muli %scan3A_114, %mul3A_119 : i32
      %swap3A_121 = arith.index_cast %mul3A_120 : i32 to index
      %swap3A_122 = tpu.vector_load %arg7[%swap3A_121] {strides = array<i32>} : memref<1024xi32, #tpu.memory_space<vmem>>, vector<16xi32>,
      tpu.vector_store %arg7[%swap3A_121], %add3A_118 {strides = array<i32>} : memref<1024xi32, #tpu.memory_space<vmem>>, vector<16xi32>,
      %add3A_123 = arith.constant 1 : i32
      %add3A_124 = vector.broadcast %add3A_123 : i32 to vector<16xi32>
      %add3A_125 = arith.addi %add3A_118, %add3A_124 : vector<16xi32>
      %mul3A_126 = arith.constant 16 : i32
      %mul3A_127 = arith.muli %scan3A_114, %mul3A_126 : i32
      %add3A_128 = arith.constant 512 : i32
      %add3A_129 = arith.addi %add3A_128, %mul3A_127 : i32
      %swap3A_130 = arith.index_cast %add3A_129 : i32 to index
      %swap3A_131 = tpu.vector_load %arg7[%swap3A_130] {strides = array<i32>} : memref<1024xi32, #tpu.memory_space<vmem>>, vector<16xi32>,
      tpu.vector_store %arg7[%swap3A_130], %add3A_125 {strides = array<i32>} : memref<1024xi32, #tpu.memory_space<vmem>>, vector<16xi32>,
      %scan3A_132 = arith.constant 3 : i32
      %scan3A_133 = arith.addi %scan3A_76, %scan3A_132 : i32
      %mul3A_134 = arith.constant 496 : i32
      %mul3A_135 = arith.muli %scan3A_133, %mul3A_134 : i32
      %add3A_136 = vector.broadcast %mul3A_135 : i32 to vector<16xi32>
      %add3A_137 = arith.addi %add3A_56, %add3A_136 : vector<16xi32>
      %mul3A_138 = arith.constant 16 : i32
      %mul3A_139 = arith.muli %scan3A_133, %mul3A_138 : i32
      %swap3A_140 = arith.index_cast %mul3A_139 : i32 to index
      %swap3A_141 = tpu.vector_load %arg7[%swap3A_140] {strides = array<i32>} : memref<1024xi32, #tpu.memory_space<vmem>>, vector<16xi32>,
      tpu.vector_store %arg7[%swap3A_140], %add3A_137 {strides = array<i32>} : memref<1024xi32, #tpu.memory_space<vmem>>, vector<16xi32>,
      %add3A_142 = arith.constant 1 : i32
      %add3A_143 = vector.broadcast %add3A_142 : i32 to vector<16xi32>
      %add3A_144 = arith.addi %add3A_137, %add3A_143 : vector<16xi32>
      %mul3A_145 = arith.constant 16 : i32
      %mul3A_146 = arith.muli %scan3A_133, %mul3A_145 : i32
      %add3A_147 = arith.constant 512 : i32
      %add3A_148 = arith.addi %add3A_147, %mul3A_146 : i32
      %swap3A_149 = arith.index_cast %add3A_148 : i32 to index
      %swap3A_150 = tpu.vector_load %arg7[%swap3A_149] {strides = array<i32>} : memref<1024xi32, #tpu.memory_space<vmem>>, vector<16xi32>,
      tpu.vector_store %arg7[%swap3A_149], %add3A_144 {strides = array<i32>} : memref<1024xi32, #tpu.memory_space<vmem>>, vector<16xi32>,
    }
    %scan3A_60 = arith.constant 32 : i32
    %dma_start3A_61 = arith.constant 0 : i32
    %dma_start3A_62 = tpu.memref_slice %arg2[%dma_start3A_61] : memref<507904xf32, #tpu.memory_space<hbm>> -> memref<507904xf32, #tpu.memory_space<hbm>>
    tpu.enqueue_indirect_dma source(%dma_start3A_62 : memref<507904xf32, #tpu.memory_space<hbm>>) target(%arg8 : memref<1024xf32, #tpu.memory_space<vmem>>) offsets(%arg7 : memref<1024xi32, #tpu.memory_space<vmem>>) semaphore(%arg15 : memref<!tpu.dma_semaphore, #tpu.memory_space<semaphore_mem>>)
    %dma_wait3A_63 = arith.constant 0 : i32
    %dma_wait3A_64 = tpu.memref_slice %arg2[%dma_wait3A_63] : memref<507904xf32, #tpu.memory_space<hbm>> -> memref<507904xf32, #tpu.memory_space<hbm>>
    tpu.wait_indirect_dma semaphore(%arg15 : memref<!tpu.dma_semaphore, #tpu.memory_space<semaphore_mem>>) src(%dma_wait3A_64 : memref<507904xf32, #tpu.memory_space<hbm>>) dst(%arg8 : memref<1024xf32, #tpu.memory_space<vmem>>)
    %broadcast_in_dim3A_65 = arith.constant 0.000000e+00 : f32
    %broadcast_in_dim3A_66 = vector.broadcast %broadcast_in_dim3A_65 : f32 to vector<16xf32>
    %scan3A_67 = arith.constant 0 : i32
    %scan3A_68 = arith.constant 32 : i32
    %scan3A_69 = arith.addi %scan3A_67, %scan3A_68 : i32
    %scan3A_70 = arith.constant 4 : i32
    %scan3A_71 = scf.for %scan3A_76 = %scan3A_67 to %scan3A_69 step %scan3A_70 iter_args(%scan3A_77 = %broadcast_in_dim3A_66) -> (vector<16xf32>)  : i32 {
      %mul3A_78 = arith.constant 16 : i32
      %mul3A_79 = arith.muli %scan3A_76, %mul3A_78 : i32
      %get3A_80 = arith.index_cast %mul3A_79 : i32 to index
      %get3A_81 = tpu.vector_load %arg8[%get3A_80] {strides = array<i32>} : memref<1024xf32, #tpu.memory_space<vmem>>, vector<16xf32>,
      %mul3A_82 = arith.constant 16 : i32
      %mul3A_83 = arith.muli %scan3A_76, %mul3A_82 : i32
      %add3A_84 = arith.constant 512 : i32
      %add3A_85 = arith.addi %add3A_84, %mul3A_83 : i32
      %get3A_86 = arith.index_cast %add3A_85 : i32 to index
      %get3A_87 = tpu.vector_load %arg8[%get3A_86] {strides = array<i32>} : memref<1024xf32, #tpu.memory_space<vmem>>, vector<16xf32>,
      %sub3A_88 = arith.subf %get3A_87, %get3A_81 : vector<16xf32>
      %mul3A_89 = arith.mulf %div3A, %sub3A_88 : vector<16xf32>
      %add3A_90 = arith.addf %get3A_81, %mul3A_89 : vector<16xf32>
      %mul3A_91 = arith.constant 16 : i32
      %mul3A_92 = arith.muli %scan3A_76, %mul3A_91 : i32
      %swap3A_93 = arith.index_cast %mul3A_92 : i32 to index
      %swap3A_94 = tpu.vector_load %arg9[%swap3A_93] {strides = array<i32>} : memref<512xf32, #tpu.memory_space<vmem>>, vector<16xf32>,
      tpu.vector_store %arg9[%swap3A_93], %add3A_90 {strides = array<i32>} : memref<512xf32, #tpu.memory_space<vmem>>, vector<16xf32>,
      %add3A_95 = arith.addf %scan3A_77, %add3A_90 : vector<16xf32>
      %scan3A_96 = arith.constant 1 : i32
      %scan3A_97 = arith.addi %scan3A_76, %scan3A_96 : i32
      %mul3A_98 = arith.constant 16 : i32
      %mul3A_99 = arith.muli %scan3A_97, %mul3A_98 : i32
      %get3A_100 = arith.index_cast %mul3A_99 : i32 to index
      %get3A_101 = tpu.vector_load %arg8[%get3A_100] {strides = array<i32>} : memref<1024xf32, #tpu.memory_space<vmem>>, vector<16xf32>,
      %mul3A_102 = arith.constant 16 : i32
      %mul3A_103 = arith.muli %scan3A_97, %mul3A_102 : i32
      %add3A_104 = arith.constant 512 : i32
      %add3A_105 = arith.addi %add3A_104, %mul3A_103 : i32
      %get3A_106 = arith.index_cast %add3A_105 : i32 to index
      %get3A_107 = tpu.vector_load %arg8[%get3A_106] {strides = array<i32>} : memref<1024xf32, #tpu.memory_space<vmem>>, vector<16xf32>,
      %sub3A_108 = arith.subf %get3A_107, %get3A_101 : vector<16xf32>
      %mul3A_109 = arith.mulf %div3A, %sub3A_108 : vector<16xf32>
      %add3A_110 = arith.addf %get3A_101, %mul3A_109 : vector<16xf32>
      %mul3A_111 = arith.constant 16 : i32
      %mul3A_112 = arith.muli %scan3A_97, %mul3A_111 : i32
      %swap3A_113 = arith.index_cast %mul3A_112 : i32 to index
      %swap3A_114 = tpu.vector_load %arg9[%swap3A_113] {strides = array<i32>} : memref<512xf32, #tpu.memory_space<vmem>>, vector<16xf32>,
      tpu.vector_store %arg9[%swap3A_113], %add3A_110 {strides = array<i32>} : memref<512xf32, #tpu.memory_space<vmem>>, vector<16xf32>,
      %add3A_115 = arith.addf %add3A_95, %add3A_110 : vector<16xf32>
      %scan3A_116 = arith.constant 2 : i32
      %scan3A_117 = arith.addi %scan3A_76, %scan3A_116 : i32
      %mul3A_118 = arith.constant 16 : i32
      %mul3A_119 = arith.muli %scan3A_117, %mul3A_118 : i32
      %get3A_120 = arith.index_cast %mul3A_119 : i32 to index
      %get3A_121 = tpu.vector_load %arg8[%get3A_120] {strides = array<i32>} : memref<1024xf32, #tpu.memory_space<vmem>>, vector<16xf32>,
      %mul3A_122 = arith.constant 16 : i32
      %mul3A_123 = arith.muli %scan3A_117, %mul3A_122 : i32
      %add3A_124 = arith.constant 512 : i32
      %add3A_125 = arith.addi %add3A_124, %mul3A_123 : i32
      %get3A_126 = arith.index_cast %add3A_125 : i32 to index
      %get3A_127 = tpu.vector_load %arg8[%get3A_126] {strides = array<i32>} : memref<1024xf32, #tpu.memory_space<vmem>>, vector<16xf32>,
      %sub3A_128 = arith.subf %get3A_127, %get3A_121 : vector<16xf32>
      %mul3A_129 = arith.mulf %div3A, %sub3A_128 : vector<16xf32>
      %add3A_130 = arith.addf %get3A_121, %mul3A_129 : vector<16xf32>
      %mul3A_131 = arith.constant 16 : i32
      %mul3A_132 = arith.muli %scan3A_117, %mul3A_131 : i32
      %swap3A_133 = arith.index_cast %mul3A_132 : i32 to index
      %swap3A_134 = tpu.vector_load %arg9[%swap3A_133] {strides = array<i32>} : memref<512xf32, #tpu.memory_space<vmem>>, vector<16xf32>,
      tpu.vector_store %arg9[%swap3A_133], %add3A_130 {strides = array<i32>} : memref<512xf32, #tpu.memory_space<vmem>>, vector<16xf32>,
      %add3A_135 = arith.addf %add3A_115, %add3A_130 : vector<16xf32>
      %scan3A_136 = arith.constant 3 : i32
      %scan3A_137 = arith.addi %scan3A_76, %scan3A_136 : i32
      %mul3A_138 = arith.constant 16 : i32
      %mul3A_139 = arith.muli %scan3A_137, %mul3A_138 : i32
      %get3A_140 = arith.index_cast %mul3A_139 : i32 to index
      %get3A_141 = tpu.vector_load %arg8[%get3A_140] {strides = array<i32>} : memref<1024xf32, #tpu.memory_space<vmem>>, vector<16xf32>,
      %mul3A_142 = arith.constant 16 : i32
      %mul3A_143 = arith.muli %scan3A_137, %mul3A_142 : i32
      %add3A_144 = arith.constant 512 : i32
      %add3A_145 = arith.addi %add3A_144, %mul3A_143 : i32
      %get3A_146 = arith.index_cast %add3A_145 : i32 to index
      %get3A_147 = tpu.vector_load %arg8[%get3A_146] {strides = array<i32>} : memref<1024xf32, #tpu.memory_space<vmem>>, vector<16xf32>,
      %sub3A_148 = arith.subf %get3A_147, %get3A_141 : vector<16xf32>
      %mul3A_149 = arith.mulf %div3A, %sub3A_148 : vector<16xf32>
      %add3A_150 = arith.addf %get3A_141, %mul3A_149 : vector<16xf32>
      %mul3A_151 = arith.constant 16 : i32
      %mul3A_152 = arith.muli %scan3A_137, %mul3A_151 : i32
      %swap3A_153 = arith.index_cast %mul3A_152 : i32 to index
      %swap3A_154 = tpu.vector_load %arg9[%swap3A_153] {strides = array<i32>} : memref<512xf32, #tpu.memory_space<vmem>>, vector<16xf32>,
      tpu.vector_store %arg9[%swap3A_153], %add3A_150 {strides = array<i32>} : memref<512xf32, #tpu.memory_space<vmem>>, vector<16xf32>,
      %add3A_155 = arith.addf %add3A_135, %add3A_150 : vector<16xf32>
      scf.yield %add3A_155 : vector<16xf32>
    }
    %scan3A_72 = arith.constant 32 : i32
    %swap3A = arith.constant 0 : index
    %swap3A_73 = tpu.vector_load %arg12[%swap3A] {strides = array<i32>} : memref<16xf32, #tpu.memory_space<vmem>>, vector<16xf32>,
    tpu.vector_store %arg12[%swap3A], %scan3A_71 {strides = array<i32>} : memref<16xf32, #tpu.memory_space<vmem>>, vector<16xf32>,
    "tpu.region"() ({
      %run_scoped3A = tpu.sem_alloc : memref<!tpu.dma_semaphore, #tpu.memory_space<semaphore_mem>>
      %dma_start3A_76 = tpu.memref_slice %arg5[%mul3A_2] : memref<16384xf32, #tpu.memory_space<hbm>> -> memref<512xf32, #tpu.memory_space<hbm>>
      %dma_start3A_77 = tpu.memref_slice %arg5[%mul3A_2] : memref<16384xf32, #tpu.memory_space<hbm>> -> memref<512xf32, #tpu.memory_space<hbm>>
      tpu.enqueue_dma source(%arg9 : memref<512xf32, #tpu.memory_space<vmem>>) target(%dma_start3A_77 : memref<512xf32, #tpu.memory_space<hbm>>) target_semaphore(%run_scoped3A : memref<!tpu.dma_semaphore, #tpu.memory_space<semaphore_mem>>)
      %dma_wait3A_78 = tpu.memref_slice %arg5[%mul3A_2] : memref<16384xf32, #tpu.memory_space<hbm>> -> memref<512xf32, #tpu.memory_space<hbm>>
      %dma_wait3A_79 = tpu.memref_slice %arg5[%mul3A_2] : memref<16384xf32, #tpu.memory_space<hbm>> -> memref<512xf32, #tpu.memory_space<hbm>>
      tpu.wait_dma2 semaphore(%run_scoped3A : memref<!tpu.dma_semaphore, #tpu.memory_space<semaphore_mem>>) src(%arg9 : memref<512xf32, #tpu.memory_space<vmem>>) dst(%dma_wait3A_79 : memref<512xf32, #tpu.memory_space<hbm>>)
      tpu.yield
    }) : () -> ()
    %mul3A_74 = arith.constant 16 : i32
    %mul3A_75 = arith.muli %add3A, %mul3A_74 : i32
    "tpu.region"() ({
      %run_scoped3A = tpu.sem_alloc : memref<!tpu.dma_semaphore, #tpu.memory_space<semaphore_mem>>
      %dma_start3A_76 = tpu.memref_slice %arg6[%mul3A_75] : memref<512xf32, #tpu.memory_space<hbm>> -> memref<16xf32, #tpu.memory_space<hbm>>
      %dma_start3A_77 = tpu.memref_slice %arg6[%mul3A_75] : memref<512xf32, #tpu.memory_space<hbm>> -> memref<16xf32, #tpu.memory_space<hbm>>
      tpu.enqueue_dma source(%arg12 : memref<16xf32, #tpu.memory_space<vmem>>) target(%dma_start3A_77 : memref<16xf32, #tpu.memory_space<hbm>>) target_semaphore(%run_scoped3A : memref<!tpu.dma_semaphore, #tpu.memory_space<semaphore_mem>>)
      %dma_wait3A_78 = tpu.memref_slice %arg6[%mul3A_75] : memref<512xf32, #tpu.memory_space<hbm>> -> memref<16xf32, #tpu.memory_space<hbm>>
      %dma_wait3A_79 = tpu.memref_slice %arg6[%mul3A_75] : memref<512xf32, #tpu.memory_space<hbm>> -> memref<16xf32, #tpu.memory_space<hbm>>
      tpu.wait_dma2 semaphore(%run_scoped3A : memref<!tpu.dma_semaphore, #tpu.memory_space<semaphore_mem>>) src(%arg12 : memref<16xf32, #tpu.memory_space<vmem>>) dst(%dma_wait3A_79 : memref<16xf32, #tpu.memory_space<hbm>>)
      tpu.yield
    }) : () -> ()
    return
  }
}

module attributes {stable_mosaic.version = 14 : i64} {
  func.func @_tc_body(%arg0: memref<4x128xf32, #tpu.memory_space<vmem>>, %arg1: memref<128x128xf32, #tpu.memory_space<vmem>>, %arg2: memref<128x128xf32, #tpu.memory_space<vmem>>, %arg3: memref<128x128xf32, #tpu.memory_space<vmem>>) attributes {dimension_semantics = [], scalar_prefetch = 0 : i64, scratch_operands = 0 : i64, tpu.core_type = #tpu.core_type<tc>} {
    %get3A = arith.constant 0 : index
    %get3A_0 = arith.constant 0 : index
    %get3A_1 = vector.load %arg0[%get3A, %get3A_0] : memref<4x128xf32, #tpu.memory_space<vmem>>, vector<4x128xf32>
    %reduce_sum3A = vector.shape_cast %get3A_1 : vector<4x128xf32> to vector<1x4x128xf32>
    %reduce_sum3A_2 = arith.constant dense<0.000000e+00> : vector<1xf32>
    %reduce_sum3A_3 = vector.multi_reduction <add>, %reduce_sum3A, %reduce_sum3A_2 [1, 2] : vector<1x4x128xf32> to vector<1xf32>
    %reduce_sum3A_4 = vector.shape_cast %reduce_sum3A_3 : vector<1xf32> to vector<1x1x1xf32>
    %reduce_sum3A_5 = vector.extract %reduce_sum3A_4[0, 0, 0] : f32 from vector<1x1x1xf32>
    %get3A_6 = arith.constant 0 : index
    %get3A_7 = arith.constant 1 : index
    %get3A_8 = vector.load %arg1[%get3A_6, %get3A_7] : memref<128x128xf32, #tpu.memory_space<vmem>>, vector<1x1xf32>
    %get3A_9 = vector.extract %get3A_8[0, 0] : f32 from vector<1x1xf32>
    %get3A_10 = arith.constant 0 : index
    %get3A_11 = arith.constant 0 : index
    %get3A_12 = vector.load %arg1[%get3A_10, %get3A_11] : memref<128x128xf32, #tpu.memory_space<vmem>>, vector<1x1xf32>
    %get3A_13 = vector.extract %get3A_12[0, 0] : f32 from vector<1x1xf32>
    %sub3A = arith.subf %get3A_9, %get3A_13 : f32
    %get3A_14 = arith.constant 0 : index
    %get3A_15 = arith.constant 0 : index
    %get3A_16 = vector.load %arg2[%get3A_14, %get3A_15] : memref<128x128xf32, #tpu.memory_space<vmem>>, vector<128x128xf32>
    %mul3A = arith.mulf %reduce_sum3A_5, %sub3A : f32
    %div3A = arith.constant 1.000000e+00 : f32
    %div3A_17 = arith.divf %div3A, %mul3A : f32
    %mul3A_18 = vector.broadcast %div3A_17 : f32 to vector<128x128xf32>
    %mul3A_19 = arith.mulf %get3A_16, %mul3A_18 : vector<128x128xf32>
    %swap3A = arith.constant 0 : index
    %swap3A_20 = arith.constant 0 : index
    %swap3A_21 = vector.load %arg3[%swap3A, %swap3A_20] : memref<128x128xf32, #tpu.memory_space<vmem>>, vector<128x128xf32>
    tpu.vector_store %arg3[%swap3A, %swap3A_20], %mul3A_19 {strides = array<i32>} : memref<128x128xf32, #tpu.memory_space<vmem>>, vector<128x128xf32>,
    return
  }
}

</mosaic_0001>

<sc_bundles>
// kernel: kernel.4.cloned.1.call-start
scs
__scs_entry_jumppad:
0x0: {  	(pc) =	sbr.rel $0x88, $3  }
0x1: {  	(tag) =	ssettag $0x0;
	lr =	simm.s32 $0x1  }
0x2: {  	[smem:$0x3F9D] =	sst lr;
	_ =	strace $0xD0000000  }
0x3: {  	_ = 	snop  }
0x4: {  	_ = 	snop  }
0x5: {  	_ = 	snop  }
0x6: {  	_ = 	snop  }
0x7: {  	_ = 	snop  }
__scs_overlays_trampoline_lowered:
0x8: {  	[smem:$0x3FAC] =	sst s0  }
0x9: {  	[smem:$0x3FAD] =	sst s1  }
0xa: {  	[smem:$0x3FAE] =	sst s2  }
0xb: {  	[smem:$0x3FAF] =	sst s3  }
0xc: {  	[smem:$0x3FB0] =	sst s4  }
0xd: {  	[smem:$0x3FB1] =	sst s5  }
0xe: {  	[smem:$0x3FB2] =	sst s6  }
0xf: {  	[smem:$0x3FB3] =	sst s7  }
0x10: {  	[smem:$0x3FB4] =	sst s8  }
0x11: {  	[smem:$0x3FB5] =	sst s9;
	s0 =	simm.s32 @!p0 $0x0  }
0x12: {  	s1 =	sld [smem:$0x3F9B];
	s0 =	simm.s32 @p0 $0x1  }
0x13: {  	[smem:$0x3FB6] =	sst s0;
	s0 =	simm.s32 @!p1 $0x0  }
0x14: {  	s2 =	sld [smem:$0x3F9A];
	s0 =	simm.s32 @p1 $0x1  }
0x15: {  	[smem:$0x3FB7] =	sst s0;
	s0 =	simm.s32 @!p2 $0x0  }
0x16: {  	s3 =	sld [smem:$0x3FDB];
	s0 =	simm.s32 @p2 $0x1  }
0x17: {  	s4 =	simm.s32 $0x1BF5;
	[smem:$0x3FB9] =	sst s0  }
0x18: {  	s0 =	sld [smem:$0x3F9C];
	_ =	swait.ge [sflag:s4], $0x0  }
0x19: {  	s7 =	sld [smem:$0x3F9D]  }
0x1a: {  	s8 =	sadd.s32 $0xFFFFE003, lr  }
0x1b: {  	s9 =	sadd.s32 $0xFFFFFEF7, lr;
	s5 =	simm.s32 $0xFFFFFFFF;
	p2 =	slt.u32 s8, $0xFFFFF086  }
0x1c: {  	p1 =	slt.u32 s9, $0xF7A;
	s5 =	simm.s32 @!p2 $0x0  }
0x1d: {  	s5 =	simm.s32 @p1 $0x1;
	p0 =	seq.s32 s7, s2  }
0x1e: {  	s7 =	smul.u32 @!p0 $0xF7A, s2;
	p2 =	seq.s32 @!p0 s5, $0x0  }
0x1f: {  	s9 =	smul.u32 $0xF7A, s1;
	s8 =	simm.s32 @!p0 $0x1BF5;
	p2 =	por !p2, p0  }
0x20: {  	[sflag:s8] =	ssyncset.s32 @!p0 $0xFFFFF086;
	s6 =	sadd.s32 @!p0 s3, s7;
	s7 =	simm.s32 @!p0 $0x108  }
0x21: {  	s3 =	sadd.s32 s3, s9;
	s6 =	sadd.s32 @!p0 $0x88, s6;
	s7 =	simm.s32 @p2 $0x1082  }
0x22: {  	[simem:s7], [sflag:s8] =	dma.local @!p0 [hbm:s6], $0xF7A  }
0x23: {  	s9 =	sor.u32 $0xD0000000, s2;
	s6 =	simm.s32 $0x108;
	_ =	swait.ge @!p0 [sflag:s8], $0x0  }
0x24: {  	s3 =	sadd.s32 $0x88, s3;
	s6 =	simm.s32 @!p1 $0x1082;
	[sflag:s4] =	ssyncset.s32 $0xFFFFF086  }
0x25: {  	[simem:s6], [sflag:s4] =	dma.local [hbm:s3], $0xF7A  }
0x26: {  	[smem:$0x3F9D] =	sst s1;
	(tag) =	ssettag s2;
	_ =	strace s9  }
0x27: {  	s1 =	sld [smem:$0x3FAD]  }
0x28: {  	s2 =	sld [smem:$0x3FAE]  }
0x29: {  	s4 =	sld [smem:$0x3FB0]  }
0x2a: {  	p0 =	seq.s32 s5, $0x0;
	s5 =	sld [smem:$0x3FB1]  }
0x2b: {  	s6 =	sld [smem:$0x3FB2]  }
0x2c: {  	s7 =	sld [smem:$0x3FB3]  }
0x2d: {  	s3 =	simm.s32 $0x108;
	s8 =	sld [smem:$0x3FB4]  }
0x2e: {  	s3 =	simm.s32 @!p0 $0x1082;
	s9 =	sld [smem:$0x3FB5]  }
0x2f: {  	lr =	sadd.s32 s0, s3;
	s0 =	sld [smem:$0x3FAC]  }
0x30: {  	s3 =	sld [smem:$0x3FAF]  }
0x31: {  	[smem:$0x3FB8] =	sst s10  }
0x32: {  	s10 =	sld [smem:$0x3FB6];
	_ =	sdelay $0x3  }
0x33: {  	p0 =	seq.s32 s10, $0x1;
	s10 =	sld [smem:$0x3FB8];
	_ =	sdelay $0x3  }
0x34: {  	[smem:$0x3FB8] =	sst s10  }
0x35: {  	s10 =	sld [smem:$0x3FB7];
	_ =	sdelay $0x3  }
0x36: {  	p1 =	seq.s32 s10, $0x1;
	s10 =	sld [smem:$0x3FB8];
	_ =	sdelay $0x3  }
0x37: {  	[smem:$0x3FB8] =	sst s10  }
0x38: {  	s10 =	sld [smem:$0x3FB9]  }
0x39: {  	_ = 	snop;
	(pc) =	sbr.ind lr, $3  }
0x3a: {  	_ = 	snop  }
0x3b: {  	_ = 	snop  }
0x3c: {  	p2 =	seq.s32 s10, $0x1;
	s10 =	sld [smem:$0x3FB8]  }
0x3d: {  	_ =	shalt  }
0x3e: {  	_ =	shalt  }
0x3f: {  	_ =	shalt  }
0x40: {  	_ =	shalt  }
0x41: {  	_ =	shalt  }
0x42: {  	_ =	shalt  }
0x43: {  	_ =	shalt  }
0x44: {  	_ =	shalt  }
0x45: {  	_ =	shalt  }
0x46: {  	_ =	shalt  }
0x47: {  	_ =	shalt  }
0x48: {  	_ =	shalt  }
0x49: {  	_ =	shalt  }
0x4a: {  	_ =	shalt  }
0x4b: {  	_ =	shalt  }
0x4c: {  	_ =	shalt  }
0x4d: {  	_ =	shalt  }
0x4e: {  	_ =	shalt  }
0x4f: {  	_ =	shalt  }
0x50: {  	_ =	shalt  }
0x51: {  	_ =	shalt  }
0x52: {  	_ =	shalt  }
0x53: {  	_ =	shalt  }
0x54: {  	_ =	shalt  }
0x55: {  	_ =	shalt  }
0x56: {  	_ =	shalt  }
0x57: {  	_ =	shalt  }
0x58: {  	_ =	shalt  }
0x59: {  	_ =	shalt  }
0x5a: {  	_ =	shalt  }
0x5b: {  	_ =	shalt  }
0x5c: {  	_ =	shalt  }
0x5d: {  	_ =	shalt  }
0x5e: {  	_ =	shalt  }
0x5f: {  	_ =	shalt  }
0x60: {  	_ =	shalt  }
0x61: {  	_ =	shalt  }
0x62: {  	_ =	shalt  }
0x63: {  	_ =	shalt  }
0x64: {  	_ =	shalt  }
0x65: {  	_ =	shalt  }
0x66: {  	_ =	shalt  }
0x67: {  	_ =	shalt  }
0x68: {  	_ =	shalt  }
0x69: {  	_ =	shalt  }
0x6a: {  	_ =	shalt  }
0x6b: {  	_ =	shalt  }
0x6c: {  	_ =	shalt  }
0x6d: {  	_ =	shalt  }
0x6e: {  	_ =	shalt  }
0x6f: {  	_ =	shalt  }
0x70: {  	_ =	shalt  }
0x71: {  	_ =	shalt  }
0x72: {  	_ =	shalt  }
0x73: {  	_ =	shalt  }
0x74: {  	_ =	shalt  }
0x75: {  	_ =	shalt  }
0x76: {  	_ =	shalt  }
0x77: {  	_ =	shalt  }
0x78: {  	_ =	shalt  }
0x79: {  	_ =	shalt  }
0x7a: {  	_ =	shalt  }
0x7b: {  	_ =	shalt  }
0x7c: {  	_ =	shalt  }
0x7d: {  	_ =	shalt  }
0x7e: {  	_ =	shalt  }
0x7f: {  	_ =	shalt  }
0x80: {  	_ =	shalt  }
0x81: {  	_ =	shalt  }
0x82: {  	_ =	shalt  }
0x83: {  	_ =	shalt  }
0x84: {  	_ =	shalt  }
0x85: {  	_ =	shalt  }
0x86: {  	_ =	shalt  }
0x87: {  	_ =	shalt  }
.Lfunc_end0:
.L_simem_size_0:
called_computation_lowered:
.L_overlay_start_0:
0x88: {  	s2 =	sld [smem:$0x3FD9]  }
0x89: {  	s3 =	sld [smem:$0x3FFE];
	_ =	sdelay $0x1  }
0x8a: {  	s1 =	srdreg.scid  }
0x8b: {  	s0 =	sand.u32 $0x1, s1  }
0x8c: {  	s17 =	sshll.u32 s0, $0xA;
	s2 =	sadd.s32 s3, s2  }
0x8d: {  	s2 =	sadd.s32 s2, s17  }
0x8e: {  	[smem:$0x3FC4] =	sst s2  }
0x8f: {  	_ = 	snop  }
0x90: {  	s2 =	sld [smem:$0x3FC9]  }
0x91: {  	s18 =	sld [smem:$0x3FC8]  }
0x92: {  	s4 =	sld [smem:$0x3FD0];
	(tm) =	ssettm $0x1  }
0x93: {  	s5 =	sld [smem:$0x3FFB];
	_ =	sdelay $0x3  }
0x94: {  	_ =	strace s5  }
0x95: {  	s5 =	sld [smem:$0x3FFC];
	_ =	sdelay $0x3  }
0x96: {  	_ =	strace s5  }
0x97: {  	s5 =	sld [smem:$0x3FFD];
	_ =	sdelay $0x3  }
0x98: {  	_ =	strace s5  }
0x99: {  	_ =	strace $0x8FFFFFFF  }
0x9a: {  	s19 =	sld [smem:$0x3FDB];
	_ =	sdelay $0x1  }
0x9b: {  	s6 =	simm.s32 $_scs_section_size  }
0x9c: {  	s7 =	simm.s32 $_size__tile_overlayer_lowered;
	s8 =	simm.s32 $_tile_overlayer_lowered  }
0x9d: {  	s22 =	simm.s32 $0x1BFF;
	s21 =	sshll.u32 s8, $0x1;
	s5 =	sadd.s32 s6, s19  }
0x9e: {  	s9 =	simm.s32 $0x0;
	s20 =	sshll.u32 s7, $0x1;
	s7 =	sadd.s32 s21, s5  }
0x9f: {  	[timem:s9], [sflag:s22] =	dma.local [hbm:s7], s20  }
0xa0: {  	_ =	swait.ge [sflag:s22], s20  }
0xa1: {  	s6 =	ssub.s32 $0x0, s20;
	[sflag:s22] =	ssyncset.done $0x0  }
0xa2: {  	[sflag:s22] =	ssyncadd.s32 s6;
	_ =	sdelay $0x1  }
0xa3: {  	s23 =	simm.s32 $0x1B8B  }
0xa4: {  	_ =	swait.ge [sflag:s23], $0x1  }
0xa5: {  	[sflag:s23] =	ssyncset.done $0x0  }
0xa6: {  	s25 =	simm.s32 $0x1B8E;
	s24 =	sld [smem:$0x3FFE];
	[sflag:s23] =	ssyncadd.s32 $0xFFFFFFFF  }
0xa7: {  	s26 =	simm.s32 $execute0_lowered;
	[smem:$0x3FD2] =	sst s25  }
0xa8: {  	s7 =	sshll.u32 s26, $0x1;
	_ =	strace $0x80000046;
	[dreg:$0x1] =	wrdreg $0xFFFFFFFF  }
0xa9: {  	s28 =	simm.s32 $_size_execute0_lowered;
	s5 =	sadd.s32 s5, s7;
	[dreg:$0x0] =	wrdreg $0x0  }
0xaa: {  	s7 =	sshll.u32 s28, $0x1;
	[dreg:$0x2] =	wrdreg s5  }
0xab: {  	[dreg:$0x3] =	wrdreg s7  }
0xac: {  	[dreg:$0x4] =	wrdreg $0xC0  }
0xad: {  	_ =	task [dreg:s9], $0x5FFFF  }
0xae: {  	[dreg:$0x1] =	wrdreg $0xFFFFFFFF  }
0xaf: {  	[dreg:$0x0] =	wrdreg $0x60  }
0xb0: {  	[dreg:$0x2] =	wrdreg s24  }
0xb1: {  	[dreg:$0x3] =	wrdreg s18  }
0xb2: {  	[dreg:$0x4] =	wrdreg s2  }
0xb3: {  	[dreg:$0x5] =	wrdreg s4  }
0xb4: {  	[dreg:$0x6] =	wrdreg $0x9  }
0xb5: {  	_ =	task.clear_ibuf [dreg:s9], $0x7FFFF;
	_ =	strace $0x90000046  }
0xb6: {  	s29 =	simm.s32 $0x9;
	_ =	strace $0x80000048  }
0xb7: {  	_ =	swait.ge [sflag:s29], $0x1  }
0xb8: {  	[sflag:s29] =	ssyncadd.s32 $0xFFFFFFFF  }
0xb9: {  	_ =	strace $0x90000048  }
0xba: {  	_ =	sfence  }
0xbb: {  	s30 =	sld [smem:$0x0];
	_ =	sdelay $0x2  }
0xbc: {  	s31 =	sshll.u32 s1, $0xD;
	s1 =	sshrl.u32 s1, $0x2  }
0xbd: {  	s3 =	sand.u32 $0x4000, s31;
	s1 =	sadd.s32 s1, s30  }
0xbe: {  	s0 =	sor.u32 s3, s0;
	s1 =	sshll.u32 s1, $0x11  }
0xbf: {  	s0 =	sor.u32 s1, s0  }
0xc0: {  	s0 =	sadd.s32 $0x8F2B, s0  }
0xc1: {  	[sflag:s0] =	ssyncadd.remote.s32 $0x1  }
0xc2: {  	_ =	sfence.sel $0xFFFF  }
0xc3: {  	[dreg:$0x0] =	wrdreg $0xFFFFFFFF;
	(pc) =	sbr.abs _section_cstart, $3  }
0xc4: {  	[dreg:$0x1] =	wrdreg $0xFFFFFFFF  }
0xc5: {  	_ =	task.clear_ibuf [dreg:s9], $0x2FFFF;
	_ =	strace $0x9FFFFFFF  }
0xc6: {  	(tm) =	ssettm $0x7FFFFFFF  }
0xc7: {  	_ =	shalt  }
tec
execute0_lowered:
.L_overlay_start_1:
0x0: {  	(tag) =	ssettag $0x1  }
0x1: {  	s6 =	rddreg [dreg:$0x0]  }
0x2: {  	s1 =	rddreg [dreg:$0x1]  }
0x3: {  	s2 =	rddreg [dreg:$0x2]  }
0x4: {  	s7 =	rddreg [dreg:$0x3]  }
0x5: {  	s0 =	rddreg [dreg:$0x4]  }
0x6: {  	s5 =	srdreg.scid;
	s3 =	stileid.u32  }
0x7: {  	s4 =	simm.s32 $0x0;
	s8 =	sand.u32 $0x1, s5;
	s30 =	sshll.u32 s3, $0x1  }
0x8: {  	s13 =	simm.s32 $0x400;
	s14 =	simm.s32 $0x3;
	s9 =	sor.u32 s8, s30  }
0x9: {  	s15 =	simm.s32 $0x800;
	s16 =	simm.s32 $0x4;
	s10 =	sshll.u32 s9, $0x9  }
0xa: {  	s17 =	simm.s32 $0xB00;
	s18 =	simm.s32 $0x0;
	[smem:$0x7FF] =	sst s4;
	v0 =	vmov s10  }
0xb: {  	s5 =	sadd.s32 $0xE00, s6;
	_ =	strace $0x80000047;
	s8 =	ssub.s32 $0x2, s8;
	v0 =	vmul.u32 $0x1F, v0  }
0xc: {  	v1 =	vlaneseq.u32;
	s11 =	sshll.u32 s9, $0x1;
	s12 =	sshrl.u32 s8, $0x1;
	s9 =	sshll.u32 s9, $0x6  }
0xd: {  	v1 =	vmul.u32 $0x1F, v1;
	s31 =	sadd.s32 s11, s6;
	s8 =	ssub.s32 s8, s12;
	s6 =	sadd.s32 s7, s9;
	v0 =	vbroadcast v0, $0x0  }
0xe: {  	s9 =	simm.s32 $0xA00;
	s10 =	simm.s32 $0xA80;
	s11 =	simm.s32 $0x1  }
0xf: {  	vm0 =	vmmov $0x7fff;
	s12 =	simm.s32 $0x2;
	s7 =	sadd.s32 $0x10600, s31;
	s8 =	smax.u32 s8, $0x1;
	v0 =	vor.u32 v1, v0;
	v1 =	vimm.s32 $0x1E  }
.LBB2_1:
0x10: {  	[tilespmem:s9], [sflag:$0x1] =	stream.linear.gather [hbm4b:s1+s4], $0x1F, $0x38;
	[tilespmem:$0xB80] =	vst v63  }
0x11: {  	_ = 	snop  }
0x12: {  	[tilespmem:s10], [sflag:$0x2] =	stream.linear.gather [hbm4b:s2+s4], $0x1, $0x38;
	[tilespmem:$0xB80] =	vst v63  }
0x13: {  	_ =	swait.ge [sflag:s11], $0x1F  }
0x14: {  	[sflag:s11] =	ssyncset.done $0x0  }
0x15: {  	[sflag:s11] =	ssyncadd.s32 $0xFFFFFFE1  }
0x16: {  	_ =	swait.ge [sflag:s12], $0x1  }
0x17: {  	[sflag:s12] =	ssyncset.done $0x0  }
0x18: {  	[sflag:s12] =	ssyncadd.s32 $0xFFFFFFFF  }
0x19: {  	v2 =	vld.msk [tilespmem:s10+$0x0], $0xffff;
	_ =	sdelay $0x3  }
0x1a: {  	v3 =	vld.msk [tilespmem:s9+$0x0], $0xffff  }
0x1b: {  	v4 =	vld.idx.msk [tilespmem:v1+s9+$0x0], $0xffff;
	v2 =	vmul.f32 $3.000000000e+00, v2  }
0x1c: {  	v5 =	vld [tilespmem:$0xA10]  }
0x1d: {  	v6 =	vld [tilespmem:$0xA00];
	v2 =	vadd.f32 $2.000000000e+00, v2;
	_ =	sdelay $0x1  }
0x1e: {  	v2 =	vmax.f32 v3, v2  }
0x1f: {  	v2 =	vmin.f32 v4, v2  }
0x20: {  	vm1 =	vle.f32 v5, v2  }
0x21: {  	vm2 =	vle.f32 v6, v2;
	vm1 =	vmand vm1, vm0  }
0x22: {  	v3 =	vmpcnt.ones.xlane vm2;
	v4 =	vmpcnt.ones.xlane vm1;
	_ =	sdelay $0x1  }
0x23: {  	v3 =	vadd.s32 v4, v3  }
0x24: {  	v3 =	vadd.s32 $0xFFFFFFFF, v3  }
0x25: {  	vm1 =	vgt.s32 v3, $0x0  }
0x26: {  	v3 =	vnsel vm1, $0x0, v3  }
0x27: {  	v4 =	vmin.u32 v3, $0x1D  }
0x28: {  	v6 =	vadd.s32 $0x1, v4;
	_ =	sdelay $0x3  }
0x29: {  	v5 =	vadd.s32 v0, v4;
	v3 =	vld.idx.msk [tilespmem:v4+s9+$0x0], $0xffff  }
0x2a: {  	s19 =	simm.s32 $0x20;
	s20 =	simm.s32 $0x0;
	v7 =	vadd.s32 s4, v5;
	v4 =	vld.idx.msk [tilespmem:v6+s9+$0x0], $0xffff;
	v6 =	vadd.s32 $0x1, v5  }
0x2b: {  	s21 =	simm.s32 $0x1F0;
	s20 =	sand.u32 $0x1C0, s20;
	[tilespmem:s19+$0xFFFFFFE0] =	vst v7;
	v7 =	vadd.s32 s4, v6  }
0x2c: {  	s29 =	simm.s32 $0x10;
	[tilespmem:s20+$0x200] =	vst v7;
	v7 =	vadd.s32 s21, v5  }
0x2d: {  	s30 =	simm.s32 $0x3E0;
	s20 =	sand.u32 $0x1D0, s29;
	[tilespmem:s19+$0xFFFFFFF0] =	vst v7;
	v7 =	vadd.s32 s21, v6  }
0x2e: {  	s31 =	simm.s32 $0x20;
	[tilespmem:s20+$0x200] =	vst v7;
	v7 =	vadd.s32 s30, v5  }
0x2f: {  	s22 =	simm.s32 $0x5D0;
	s23 =	simm.s32 $0x30;
	s20 =	sand.u32 $0x1E0, s31;
	[tilespmem:s19+$0x0] =	vst v7;
	v7 =	vadd.s32 s30, v6  }
0x30: {  	s23 =	sand.u32 $0x1F0, s23;
	[tilespmem:s20+$0x200] =	vst v7;
	v7 =	vadd.s32 s22, v5  }
0x31: {  	s21 =	simm.s32 $0x70;
	s20 =	simm.s32 $0x0;
	[tilespmem:s19+$0x10] =	vst v7;
	v7 =	vadd.s32 s22, v6;
	s22 =	simm.s32 $0x7C0  }
.LBB2_2:
0x32: {  	v8 =	vadd.s32 s22, v5;
	s24 =	sadd.s32 $0xFFFFFFD0, s21;
	[tilespmem:s23+$0x200] =	vst v7;
	s19 =	sadd.s32 $0x40, s19;
	s23 =	smov.u32 s21  }
0x33: {  	v7 =	vadd.s32 s22, v6;
	s25 =	sadd.s32 $0x1F0, s22;
	s20 =	sadd.s32 $0x4, s20;
	[tilespmem:s19+$0xFFFFFFE0] =	vst v8;
	s24 =	sand.u32 $0x1C0, s24  }
0x34: {  	p0 =	slt.u32 s20, $0x1C;
	[tilespmem:s24+$0x200] =	vst v7;
	v7 =	vadd.s32 s25, v5;
	s24 =	sadd.s32 $0xFFFFFFE0, s21  }
.Ltmp0:
0x35: {  	[tilespmem:s19+$0xFFFFFFF0] =	vst v7;
	v7 =	vadd.s32 s25, v6;
	s24 =	sand.u32 $0x1D0, s24;
	s25 =	sadd.s32 $0x3E0, s22;
	(pc) =	sbr.rel @p0 .LBB2_2-.Ltmp0, $4  }
0x36: {  	[tilespmem:s24+$0x200] =	vst v7;
	v7 =	vadd.s32 s25, v5;
	s24 =	sadd.s32 $0xFFFFFFF0, s21  }
0x37: {  	[tilespmem:s19+$0x0] =	vst v7;
	v7 =	vadd.s32 s25, v6;
	s24 =	sand.u32 $0x1E0, s24;
	s25 =	sadd.s32 $0x5D0, s22  }
0x38: {  	s21 =	sadd.s32 $0x40, s21;
	[tilespmem:s24+$0x200] =	vst v7;
	v7 =	vadd.s32 s25, v5  }
0x39: {  	s23 =	sand.u32 $0x1F0, s23;
	s22 =	sadd.s32 $0x7C0, s22;
	[tilespmem:s19+$0x10] =	vst v7;
	v7 =	vadd.s32 s25, v6  }
0x3a: {  	v4 =	vsub.f32 v4, v3;
	_ =	sdelay $0x1  }
0x3b: {  	(erf) = vrcp.f32 v4;
	_ =	sdelay $0x7  }
0x3c: {  	[tilespmem:s23+$0x200] =	vst v7  }
0x3d: {  	[tilespmem:s13], [sflag:$0x3] =	stream.indirect.gather [hbm4b:s5+s13], $0x1, s4, s13, $0xb8;
	v4 =	vpop (erf);
	[tilespmem:$0xB80] =	vst v63  }
0x3e: {  	_ =	swait.ge [sflag:s14], $0x400  }
0x3f: {  	[sflag:s14] =	ssyncset.done $0x0  }
0x40: {  	[sflag:s14] =	ssyncadd.s32 $0xFFFFFC00  }
0x41: {  	v5 =	vld [tilespmem:$0x400]  }
0x42: {  	v6 =	vld [tilespmem:$0x600]  }
0x43: {  	v39 =	vld [tilespmem:$0x410]  }
0x44: {  	v2 =	vsub.f32 v2, v3;
	v3 =	vld [tilespmem:$0x610]  }
0x45: {  	v8 =	vld [tilespmem:$0x420]  }
0x46: {  	v41 =	vld [tilespmem:$0x620]  }
0x47: {  	v9 =	vld [tilespmem:$0x430]  }
0x48: {  	v10 =	vld [tilespmem:$0x630]  }
0x49: {  	v42 =	vld [tilespmem:$0x440]  }
0x4a: {  	v2 =	vmul.f32 v4, v2;
	v11 =	vld [tilespmem:$0x640];
	v40 =	vsub.f32 v6, v5  }
0x4b: {  	v13 =	vld [tilespmem:$0x450]  }
0x4c: {  	v44 =	vld [tilespmem:$0x650];
	v3 =	vsub.f32 v3, v39;
	v4 =	vmul.f32 v40, v2  }
0x4d: {  	v14 =	vld [tilespmem:$0x460]  }
0x4e: {  	v45 =	vld [tilespmem:$0x660];
	v6 =	vsub.f32 v41, v8;
	v3 =	vmul.f32 v3, v2;
	v4 =	vadd.f32 v4, v5  }
0x4f: {  	v46 =	vld [tilespmem:$0x470];
	v43 =	vsub.f32 v10, v9  }
0x50: {  	v15 =	vld [tilespmem:$0x670];
	v6 =	vmul.f32 v6, v2;
	v3 =	vadd.f32 v3, v39;
	v12 =	vadd.f32 $0.0e+00, v4  }
0x51: {  	v16 =	vld [tilespmem:$0x480];
	v11 =	vsub.f32 v11, v42  }
0x52: {  	v47 =	vld [tilespmem:$0x680];
	v7 =	vmul.f32 v43, v2;
	v6 =	vadd.f32 v6, v8;
	v12 =	vadd.f32 v3, v12  }
0x53: {  	v17 =	vld [tilespmem:$0x490];
	v10 =	vsub.f32 v44, v13;
	v11 =	vmul.f32 v11, v2  }
0x54: {  	v48 =	vld [tilespmem:$0x690];
	v7 =	vadd.f32 v7, v9;
	v12 =	vadd.f32 v6, v12  }
0x55: {  	v49 =	vld [tilespmem:$0x4A0];
	v5 =	vadd.f32 v11, v42  }
0x56: {  	v18 =	vld [tilespmem:$0x6A0];
	v10 =	vmul.f32 v10, v2;
	v8 =	vsub.f32 v45, v14;
	v12 =	vadd.f32 v7, v12  }
0x57: {  	v19 =	vld [tilespmem:$0x4B0];
	v15 =	vsub.f32 v15, v46  }
0x58: {  	v50 =	vld [tilespmem:$0x6B0];
	v10 =	vadd.f32 v10, v13;
	v8 =	vmul.f32 v8, v2;
	v12 =	vadd.f32 v5, v12  }
0x59: {  	v20 =	vld [tilespmem:$0x4C0];
	v15 =	vmul.f32 v15, v2;
	v11 =	vsub.f32 v47, v16  }
0x5a: {  	v51 =	vld [tilespmem:$0x6C0];
	v8 =	vadd.f32 v8, v14;
	v12 =	vadd.f32 v10, v12  }
0x5b: {  	v52 =	vld [tilespmem:$0x4D0];
	v9 =	vadd.f32 v15, v46  }
0x5c: {  	v21 =	vld [tilespmem:$0x6D0];
	v13 =	vsub.f32 v48, v17;
	v11 =	vmul.f32 v11, v2;
	v12 =	vadd.f32 v8, v12  }
0x5d: {  	v22 =	vld [tilespmem:$0x4E0];
	v18 =	vsub.f32 v18, v49  }
0x5e: {  	v53 =	vld [tilespmem:$0x6E0];
	v13 =	vmul.f32 v13, v2;
	v11 =	vadd.f32 v11, v16;
	v12 =	vadd.f32 v9, v12  }
0x5f: {  	v23 =	vld [tilespmem:$0x4F0];
	v18 =	vmul.f32 v18, v2;
	v15 =	vsub.f32 v50, v19  }
0x60: {  	v54 =	vld [tilespmem:$0x6F0];
	v13 =	vadd.f32 v13, v17;
	v12 =	vadd.f32 v11, v12  }
0x61: {  	v55 =	vld [tilespmem:$0x500];
	v14 =	vadd.f32 v18, v49  }
0x62: {  	v24 =	vld [tilespmem:$0x700];
	v15 =	vmul.f32 v15, v2;
	v16 =	vsub.f32 v51, v20;
	v12 =	vadd.f32 v13, v12  }
0x63: {  	v25 =	vld [tilespmem:$0x510];
	v21 =	vsub.f32 v21, v52  }
0x64: {  	v56 =	vld [tilespmem:$0x710];
	v15 =	vadd.f32 v15, v19;
	v16 =	vmul.f32 v16, v2;
	v12 =	vadd.f32 v14, v12  }
0x65: {  	v26 =	vld [tilespmem:$0x520];
	v21 =	vmul.f32 v21, v2;
	v18 =	vsub.f32 v53, v22  }
0x66: {  	v57 =	vld [tilespmem:$0x720];
	v16 =	vadd.f32 v16, v20;
	v12 =	vadd.f32 v15, v12  }
0x67: {  	v58 =	vld [tilespmem:$0x530];
	v17 =	vadd.f32 v21, v52  }
0x68: {  	v27 =	vld [tilespmem:$0x730];
	v19 =	vsub.f32 v54, v23;
	v18 =	vmul.f32 v18, v2;
	v12 =	vadd.f32 v16, v12  }
0x69: {  	v28 =	vld [tilespmem:$0x540];
	v24 =	vsub.f32 v24, v55  }
0x6a: {  	v59 =	vld [tilespmem:$0x740];
	v19 =	vmul.f32 v19, v2;
	v18 =	vadd.f32 v18, v22;
	v12 =	vadd.f32 v17, v12  }
0x6b: {  	v29 =	vld [tilespmem:$0x550];
	v24 =	vmul.f32 v24, v2;
	v21 =	vsub.f32 v56, v25  }
0x6c: {  	v60 =	vld [tilespmem:$0x750];
	v19 =	vadd.f32 v19, v23;
	v12 =	vadd.f32 v18, v12  }
0x6d: {  	v61 =	vld [tilespmem:$0x560];
	v20 =	vadd.f32 v24, v55  }
0x6e: {  	v63 =	vld [tilespmem:$0x760];
	v21 =	vmul.f32 v21, v2;
	v22 =	vsub.f32 v57, v26;
	v12 =	vadd.f32 v19, v12  }
0x6f: {  	v30 =	vld [tilespmem:$0x570];
	v27 =	vsub.f32 v27, v58  }
0x70: {  	v33 =	vld [tilespmem:$0x770];
	[tilespmem:$0x800] =	vst v4;
	v21 =	vadd.f32 v21, v25;
	v22 =	vmul.f32 v22, v2;
	v12 =	vadd.f32 v20, v12  }
0x71: {  	v34 =	vld [tilespmem:$0x580];
	[tilespmem:$0x810] =	vst v3;
	v24 =	vsub.f32 v59, v28  }
0x72: {  	v37 =	vld [tilespmem:$0x780];
	v62 =	vmul.f32 v27, v2;
	[tilespmem:$0x820] =	vst v6;
	v22 =	vadd.f32 v22, v26;
	v12 =	vadd.f32 v21, v12  }
0x73: {  	v32 =	vsub.f32 v60, v29;
	v44 =	vld [tilespmem:$0x7A0];
	[tilespmem:$0x830] =	vst v7  }
0x74: {  	v40 =	vld [tilespmem:$0x790];
	v4 =	vadd.f32 v62, v58;
	[tilespmem:$0x840] =	vst v5;
	v31 =	vmul.f32 v24, v2;
	v3 =	vadd.f32 v22, v12  }
0x75: {  	v38 =	vsub.f32 v63, v61;
	v43 =	vld [tilespmem:$0x5A0];
	[tilespmem:$0x850] =	vst v10  }
0x76: {  	v36 =	vmul.f32 v32, v2;
	v39 =	vld [tilespmem:$0x590];
	[tilespmem:$0x870] =	vst v9;
	v35 =	vadd.f32 v31, v28;
	v3 =	vadd.f32 v4, v3  }
0x77: {  	v42 =	vsub.f32 v33, v30;
	v46 =	vld [tilespmem:$0x5B0];
	[tilespmem:$0x930] =	vst v4  }
0x78: {  	v41 =	vmul.f32 v38, v2;
	v47 =	vld [tilespmem:$0x7B0];
	[tilespmem:$0x860] =	vst v8;
	v6 =	vadd.f32 v36, v29;
	v3 =	vadd.f32 v35, v3  }
0x79: {  	v45 =	vsub.f32 v37, v34;
	v50 =	vld [tilespmem:$0x7C0];
	[tilespmem:$0x880] =	vst v11  }
0x7a: {  	v58 =	vld [tilespmem:$0x7F0];
	[tilespmem:$0x890] =	vst v13;
	v10 =	vmul.f32 v42, v2;
	v9 =	vadd.f32 v41, v61;
	v3 =	vadd.f32 v6, v3  }
0x7b: {  	v49 =	vld [tilespmem:$0x5C0];
	[tilespmem:$0x8A0] =	vst v14;
	v8 =	vsub.f32 v40, v39  }
0x7c: {  	v48 =	vmul.f32 v45, v2;
	v51 =	vld [tilespmem:$0x5D0];
	[tilespmem:$0x8B0] =	vst v15;
	v10 =	vadd.f32 v10, v30;
	v3 =	vadd.f32 v9, v3  }
0x7d: {  	v52 =	vld [tilespmem:$0x7D0];
	[tilespmem:$0x8D0] =	vst v17;
	v8 =	vmul.f32 v8, v2;
	v11 =	vsub.f32 v44, v43  }
0x7e: {  	v53 =	vld [tilespmem:$0x5E0];
	v7 =	vadd.f32 v48, v34;
	[tilespmem:$0x950] =	vst v6;
	v3 =	vadd.f32 v10, v3  }
0x7f: {  	v54 =	vld [tilespmem:$0x7E0];
	[tilespmem:$0x8C0] =	vst v16;
	v8 =	vadd.f32 v8, v39;
	v11 =	vmul.f32 v11, v2  }
0x80: {  	v55 =	vld [tilespmem:$0x5F0];
	[tilespmem:$0x8E0] =	vst v18;
	v14 =	vsub.f32 v47, v46;
	v3 =	vadd.f32 v7, v3  }
0x81: {  	[tilespmem:$0x8F0] =	vst v19;
	v11 =	vadd.f32 v11, v43  }
0x82: {  	[tilespmem:$0x900] =	vst v20;
	v15 =	vsub.f32 v50, v49;
	v14 =	vmul.f32 v14, v2;
	v3 =	vadd.f32 v8, v3  }
0x83: {  	v57 =	vsub.f32 v52, v51;
	[tilespmem:$0x910] =	vst v21  }
0x84: {  	[tilespmem:$0x980] =	vst v7;
	v56 =	vmul.f32 v15, v2;
	v59 =	vadd.f32 v14, v46;
	v3 =	vadd.f32 v11, v3  }
0x85: {  	v63 =	vsub.f32 v58, v55;
	[tilespmem:$0x920] =	vst v22;
	v61 =	vsub.f32 v54, v53  }
0x86: {  	v60 =	vmul.f32 v57, v2;
	[tilespmem:$0x940] =	vst v35;
	v4 =	vadd.f32 v56, v49;
	v3 =	vadd.f32 v59, v3  }
0x87: {  	[tilespmem:$0x970] =	vst v10;
	v62 =	vmul.f32 v61, v2;
	v2 =	vmul.f32 v63, v2  }
0x88: {  	[tilespmem:$0x960] =	vst v9;
	v6 =	vadd.f32 v60, v51;
	v3 =	vadd.f32 v4, v3  }
0x89: {  	[tilespmem:$0x990] =	vst v8;
	v2 =	vadd.f32 v2, v55  }
0x8a: {  	[tilespmem:$0x9A0] =	vst v11;
	v7 =	vadd.f32 v62, v53;
	v3 =	vadd.f32 v6, v3  }
0x8b: {  	[tilespmem:$0x9B0] =	vst v59  }
0x8c: {  	[tilespmem:$0x9F0] =	vst v2;
	v3 =	vadd.f32 v7, v3  }
0x8d: {  	[tilespmem:$0x9C0] =	vst v4  }
0x8e: {  	[tilespmem:$0x9D0] =	vst v6;
	v3 =	vadd.f32 v2, v3  }
0x8f: {  	[tilespmem:$0x9E0] =	vst v7  }
0x90: {  	[tilespmem:$0xB00] =	vst v3  }
0x91: {  	[hbm4b:s6+s4] =	stream.linear.scatter [tilespmem:s15], [sflag:$0x4], $0x200, $0x38;
	[tilespmem:$0xB80] =	vst v63  }
0x92: {  	s18 =	sadd.s32 $0x1, s18;
	_ =	swait.ge [sflag:s16], $0x200  }
0x93: {  	p0 =	sne.s32 s18, s8;
	[sflag:s16] =	ssyncset.done $0x0  }
.Ltmp1:
0x94: {  	[sflag:s16] =	ssyncadd.s32 $0xFFFFFE00;
	(pc) =	sbr.rel @p0 .LBB2_1-.Ltmp1, $4  }
0x95: {  	[hbm4b:s7+s4] =	stream.linear.scatter [tilespmem:s17], [sflag:$0x4], $0x10, $0x38;
	[tilespmem:$0xB80] =	vst v63  }
0x96: {  	_ =	swait.ge [sflag:s16], $0x10  }
0x97: {  	[sflag:s16] =	ssyncset.done $0x0  }
0x98: {  	[sflag:s16] =	ssyncadd.s32 $0xFFFFFFF0  }
0x99: {  	_ =	sfence.sel $0x180000  }
0x9a: {  	[bflag:$0x0] =	sbarrier.arrive $0xFFFF  }
0x9b: {  	p0 =	sne.s32 s3, $0x0;
	_ =	strace $0x90000047  }
0x9c: {  	s0 =	sadd.s32 @!p0 $0x100000, s0;
	[bflag:$0x2] =	sbarrier.arrive $0xFFFF  }
0x9d: {  	[sflag:s0] =	ssyncadd.tile.s32 @!p0 $0x1;
	_ =	shalt  }
.Lfunc_end2:
_tile_overlayer_lowered:
.L_overlay_start_2:
0x9e: {  	(tag) =	ssettag $0x2  }
0x9f: {  	s0 =	rddreg [dreg:$0x0];
	s2 =	stileid.u32  }
0xa0: {  	s1 =	rddreg [dreg:$0x1];
	p0 =	sne.s32 s2, $0x0  }
0xa1: {  	s3 =	rddreg [dreg:$0x2];
	[bflag:$0x3] =	sbarrier.arrive $0xFFFF;
	s2 =	simm.s32 @!p0 $0x1C04  }
0xa2: {  	[timem:s3], [sflag:s2] =	dma.local @!p0 [hbm:s0], s1  }
0xa3: {  	s0 =	simm.s32 @!p0 $0x4  }
0xa4: {  	_ =	swait.ge @!p0 [sflag:s0], s1  }
0xa5: {  	s1 =	ssub.s32 @!p0 $0x0, s1;
	[sflag:s0] =	ssyncset.done @!p0 $0x0  }
0xa6: {  	[sflag:s0] =	ssyncadd.s32 @!p0 s1  }
0xa7: {  	[bflag:$0x3] =	sbarrier.arrive $0xFFFF  }
0xa8: {  	_ =	shalt  }

</sc_bundles>
